<compile_context>
chip_gen: v7x
topology: tpu7x:2x2x1
jax: 0.10.2.dev20260603
libtpu: 0.0.44.dev20260713+nightly
codegen_flags: <defaults>
</compile_context>

<pallas_src>
import functools

import jax
import jax.numpy as jnp
from jax.experimental import pallas as pl
from jax.experimental.pallas import tpu as pltpu


def _fused_body(x_ref, a_ref, w1_ref, c1_ref, w2_ref, c2_ref, w3_ref, c3_ref,
                o1_ref, o2_ref, o3_ref):
    x = x_ref[0]
    a = a_ref[0]
    f32 = jnp.float32
    dot = lambda m, v: jnp.dot(m, v, preferred_element_type=f32,
                               precision=jax.lax.Precision.DEFAULT)

    y = jnp.maximum(dot(w1_ref[...], x) + c1_ref[...], 0.0)
    z1 = dot(a, y)
    o1_ref[0] = z1

    y = jnp.maximum(dot(w2_ref[...], z1) + c2_ref[...], 0.0)
    z2 = dot(a, y)
    o2_ref[0] = z2

    y = jnp.maximum(dot(w3_ref[...], z2) + c3_ref[...], 0.0)
    o3_ref[0] = dot(a, y)


@functools.partial(jax.jit, static_argnames=("tile",))
def _run(feats, adj_matrix, ws, cs, tile):
    n, c, h, w = feats.shape
    hw = h * w
    x = feats.reshape(n, c, hw)
    grid = (n, hw // tile)

    io_spec = pl.BlockSpec((1, c, tile), lambda i, j: (i, 0, j))
    mat_spec = pl.BlockSpec((c, c), lambda i, j: (0, 0))
    vec_spec = pl.BlockSpec((c, 1), lambda i, j: (0, 0))

    outs = pl.pallas_call(
        _fused_body,
        grid=grid,
        in_specs=[
            io_spec,
            pl.BlockSpec((1, c, c), lambda i, j: (i, 0, 0)),
            mat_spec, vec_spec,
            mat_spec, vec_spec,
            mat_spec, vec_spec,
        ],
        out_specs=[io_spec, io_spec, io_spec],
        out_shape=[jax.ShapeDtypeStruct((n, c, hw), jnp.float32)] * 3,
        compiler_params=pltpu.CompilerParams(
            dimension_semantics=("parallel", "parallel")),
    )(x, adj_matrix, ws[0], cs[0], ws[1], cs[1], ws[2], cs[2])

    return tuple(o.reshape(n, c, h, w) for o in outs)


def kernel(feats, adj_matrix, W1, b1, g1, beta1, W2, b2, g2, beta2,
           W3, b3, g3, beta3):
    inv_std = 1.0 / jnp.sqrt(jnp.float32(1.0 + 1e-5))
    ws, cs = [], []
    for Wm, b, g, beta in ((W1, b1, g1, beta1), (W2, b2, g2, beta2),
                           (W3, b3, g3, beta3)):
        s = g * inv_std
        ws.append(Wm * s[:, None])
        cs.append((b * s + beta)[:, None])
    return _run(feats, adj_matrix, tuple(ws), tuple(cs), 4096)

# --- scband reference (transcript-rebuilt; emitter-appended) ---
"""Pipeline reference for scband-fusion-gnn-53008486367386 (READ-ONLY COPY).

The authoritative reference and input builder live on the scoring server;
editing this copy changes nothing except your own understanding.
"""

import jax, jax.numpy as jnp
import numpy as np

N, C, H, W = 8, 96, 128, 128


def setup_inputs(seed: int = 0) -> dict:
    key = jax.random.key(seed)
    ks = jax.random.split(key, 8)
    feats = jax.random.normal(ks[0], (N, C, H, W), dtype=jnp.float32)
    adj_matrix = jax.random.uniform(ks[1], (N, C, C), dtype=jnp.float32)
    s = 1.0 / np.sqrt(C)
    inp = {"feats": feats, "adj_matrix": adj_matrix}
    for i in range(3):
        inp[f"W{i+1}"] = jax.random.normal(ks[2 + i], (C, C), dtype=jnp.float32) * s
        inp[f"b{i+1}"] = jnp.zeros((C,), dtype=jnp.float32)
        inp[f"g{i+1}"] = jnp.ones((C,), dtype=jnp.float32)
        inp[f"beta{i+1}"] = jnp.zeros((C,), dtype=jnp.float32)
    return inp


def _conv_bn_relu(x, Wm, b, g, beta):
    # 1x1 Conv2d: weight [out_c, in_c], applied pointwise over H,W
    x = jnp.einsum('nchw,oc->nohw', x, Wm) + b[None, :, None, None]
    # BN2d inference-style: running_mean=0, running_var=1, eps=1e-5
    inv_std = 1.0 / jnp.sqrt(1.0 + 1e-5)
    x = x * (g * inv_std)[None, :, None, None] + beta[None, :, None, None]
    return jax.nn.relu(x)


def reference(feats, adj_matrix, W1, b1, g1, beta1, W2, b2, g2, beta2, W3, b3, g3, beta3):
    n, c, h, w = feats.shape
    x = feats
    fuse_out = []
    for (Wm, b, g, be) in ((W1, b1, g1, beta1), (W2, b2, g2, beta2), (W3, b3, g3, beta3)):
        x = _conv_bn_relu(x, Wm, b, g, be)
        # per-item sparse.mm(adj[i], feats[i].view(C, H*W)) -> dense batched matmul
        x = jnp.einsum('ncd,ndp->ncp', adj_matrix, x.reshape(n, c, h * w)).reshape(n, c, h, w)
        fuse_out.append(x)
    return tuple(fuse_out)

if __name__ == "__main__":
    import jax
    _d = setup_inputs()
    print(jax.jit(kernel)(*tuple(_d.values())))

</pallas_src>

<mosaic_0001>
module attributes {stable_mosaic.version = 14 : i64} {
  func.func @_fused_body(%arg0: i32, %arg1: i32, %arg2: memref<1x96x4096xf32, #tpu.memory_space<vmem>>, %arg3: memref<1x96x96xf32, #tpu.memory_space<vmem>>, %arg4: memref<96x96xf32, #tpu.memory_space<vmem>>, %arg5: memref<96x1xf32, #tpu.memory_space<vmem>>, %arg6: memref<96x96xf32, #tpu.memory_space<vmem>>, %arg7: memref<96x1xf32, #tpu.memory_space<vmem>>, %arg8: memref<96x96xf32, #tpu.memory_space<vmem>>, %arg9: memref<96x1xf32, #tpu.memory_space<vmem>>, %arg10: memref<1x96x4096xf32, #tpu.memory_space<vmem>>, %arg11: memref<1x96x4096xf32, #tpu.memory_space<vmem>>, %arg12: memref<1x96x4096xf32, #tpu.memory_space<vmem>>) attributes {dimension_semantics = [#tpu.dimension_semantics<parallel>, #tpu.dimension_semantics<parallel>], iteration_bounds = array<i64: 8, 4>, scalar_prefetch = 0 : i64, scratch_operands = 0 : i64, tpu.core_type = #tpu.core_type<tc>, window_params = [{transform_indices = @transform_0, window_bounds = array<i64: 1, 96, 4096>}, {transform_indices = @transform_1, window_bounds = array<i64: 1, 96, 96>}, {pipeline_mode = #tpu.pipeline_mode<synchronous>, transform_indices = @transform_2, window_bounds = array<i64: 96, 96>}, {pipeline_mode = #tpu.pipeline_mode<synchronous>, transform_indices = @transform_3, window_bounds = array<i64: 96, 1>}, {pipeline_mode = #tpu.pipeline_mode<synchronous>, transform_indices = @transform_4, window_bounds = array<i64: 96, 96>}, {pipeline_mode = #tpu.pipeline_mode<synchronous>, transform_indices = @transform_5, window_bounds = array<i64: 96, 1>}, {pipeline_mode = #tpu.pipeline_mode<synchronous>, transform_indices = @transform_6, window_bounds = array<i64: 96, 96>}, {pipeline_mode = #tpu.pipeline_mode<synchronous>, transform_indices = @transform_7, window_bounds = array<i64: 96, 1>}, {transform_indices = @transform_8, window_bounds = array<i64: 1, 96, 4096>}, {transform_indices = @transform_9, window_bounds = array<i64: 1, 96, 4096>}, {transform_indices = @transform_10, window_bounds = array<i64: 1, 96, 4096>}]} {
    %get3A = arith.constant 0 : index
    %get3A_0 = arith.constant 0 : index
    %get3A_1 = arith.constant 0 : index
    %get3A_2 = vector.load %arg2[%get3A, %get3A_0, %get3A_1] : memref<1x96x4096xf32, #tpu.memory_space<vmem>>, vector<1x96x4096xf32>
    %get3A_3 = vector.shape_cast %get3A_2 : vector<1x96x4096xf32> to vector<96x4096xf32>
    %get3A_4 = arith.constant 0 : index
    %get3A_5 = arith.constant 0 : index
    %get3A_6 = arith.constant 0 : index
    %get3A_7 = vector.load %arg3[%get3A_4, %get3A_5, %get3A_6] : memref<1x96x96xf32, #tpu.memory_space<vmem>>, vector<1x96x96xf32>
    %get3A_8 = vector.shape_cast %get3A_7 : vector<1x96x96xf32> to vector<96x96xf32>
    %get3A_9 = arith.constant 0 : index
    %get3A_10 = arith.constant 0 : index
    %get3A_11 = vector.load %arg4[%get3A_9, %get3A_10] : memref<96x96xf32, #tpu.memory_space<vmem>>, vector<96x96xf32>
    %dot_general3A = arith.constant dense<0.000000e+00> : vector<96x4096xf32>
    %dot_general3A_12 = tpu.matmul %get3A_11, %get3A_3, %dot_general3A {dimension_numbers = #tpu.dot_dimension_numbers<[1], [0], [0], [1], [0, 0, 1, 1], [], []>, transpose_lhs_hint = false} : vector<96x96xf32>, vector<96x4096xf32>, vector<96x4096xf32> -> vector<96x4096xf32>
    %get3A_13 = arith.constant 0 : index
    %get3A_14 = arith.constant 0 : index
    %get3A_15 = vector.load %arg5[%get3A_13, %get3A_14] : memref<96x1xf32, #tpu.memory_space<vmem>>, vector<96x1xf32>
    %add3A = vector.broadcast %get3A_15 : vector<96x1xf32> to vector<96x4096xf32>
    %add3A_16 = arith.addf %dot_general3A_12, %add3A : vector<96x4096xf32>
    %max3A = arith.constant 0.000000e+00 : f32
    %max3A_17 = vector.broadcast %max3A : f32 to vector<96x4096xf32>
    %max3A_18 = arith.maximumf %add3A_16, %max3A_17 : vector<96x4096xf32>
    %dot_general3A_19 = arith.constant dense<0.000000e+00> : vector<96x4096xf32>
    %dot_general3A_20 = tpu.matmul %get3A_8, %max3A_18, %dot_general3A_19 {dimension_numbers = #tpu.dot_dimension_numbers<[1], [0], [0], [1], [0, 0, 1, 1], [], []>, transpose_lhs_hint = false} : vector<96x96xf32>, vector<96x4096xf32>, vector<96x4096xf32> -> vector<96x4096xf32>
    %swap3A = arith.constant 0 : index
    %swap3A_21 = arith.constant 0 : index
    %swap3A_22 = arith.constant 0 : index
    %swap3A_23 = vector.load %arg10[%swap3A, %swap3A_21, %swap3A_22] : memref<1x96x4096xf32, #tpu.memory_space<vmem>>, vector<1x96x4096xf32>
    %swap3A_24 = vector.shape_cast %swap3A_23 : vector<1x96x4096xf32> to vector<96x4096xf32>
    %swap3A_25 = vector.shape_cast %dot_general3A_20 : vector<96x4096xf32> to vector<1x96x4096xf32>
    tpu.vector_store %arg10[%swap3A, %swap3A_21, %swap3A_22], %swap3A_25 {strides = array<i32>} : memref<1x96x4096xf32, #tpu.memory_space<vmem>>, vector<1x96x4096xf32>,
    %get3A_26 = arith.constant 0 : index
    %get3A_27 = arith.constant 0 : index
    %get3A_28 = vector.load %arg6[%get3A_26, %get3A_27] : memref<96x96xf32, #tpu.memory_space<vmem>>, vector<96x96xf32>
    %dot_general3A_29 = arith.constant dense<0.000000e+00> : vector<96x4096xf32>
    %dot_general3A_30 = tpu.matmul %get3A_28, %dot_general3A_20, %dot_general3A_29 {dimension_numbers = #tpu.dot_dimension_numbers<[1], [0], [0], [1], [0, 0, 1, 1], [], []>, transpose_lhs_hint = false} : vector<96x96xf32>, vector<96x4096xf32>, vector<96x4096xf32> -> vector<96x4096xf32>
    %get3A_31 = arith.constant 0 : index
    %get3A_32 = arith.constant 0 : index
    %get3A_33 = vector.load %arg7[%get3A_31, %get3A_32] : memref<96x1xf32, #tpu.memory_space<vmem>>, vector<96x1xf32>
    %add3A_34 = vector.broadcast %get3A_33 : vector<96x1xf32> to vector<96x4096xf32>
    %add3A_35 = arith.addf %dot_general3A_30, %add3A_34 : vector<96x4096xf32>
    %max3A_36 = arith.constant 0.000000e+00 : f32
    %max3A_37 = vector.broadcast %max3A_36 : f32 to vector<96x4096xf32>
    %max3A_38 = arith.maximumf %add3A_35, %max3A_37 : vector<96x4096xf32>
    %dot_general3A_39 = arith.constant dense<0.000000e+00> : vector<96x4096xf32>
    %dot_general3A_40 = tpu.matmul %get3A_8, %max3A_38, %dot_general3A_39 {dimension_numbers = #tpu.dot_dimension_numbers<[1], [0], [0], [1], [0, 0, 1, 1], [], []>, transpose_lhs_hint = false} : vector<96x96xf32>, vector<96x4096xf32>, vector<96x4096xf32> -> vector<96x4096xf32>
    %swap3A_41 = arith.constant 0 : index
    %swap3A_42 = arith.constant 0 : index
    %swap3A_43 = arith.constant 0 : index
    %swap3A_44 = vector.load %arg11[%swap3A_41, %swap3A_42, %swap3A_43] : memref<1x96x4096xf32, #tpu.memory_space<vmem>>, vector<1x96x4096xf32>
    %swap3A_45 = vector.shape_cast %swap3A_44 : vector<1x96x4096xf32> to vector<96x4096xf32>
    %swap3A_46 = vector.shape_cast %dot_general3A_40 : vector<96x4096xf32> to vector<1x96x4096xf32>
    tpu.vector_store %arg11[%swap3A_41, %swap3A_42, %swap3A_43], %swap3A_46 {strides = array<i32>} : memref<1x96x4096xf32, #tpu.memory_space<vmem>>, vector<1x96x4096xf32>,
    %get3A_47 = arith.constant 0 : index
    %get3A_48 = arith.constant 0 : index
    %get3A_49 = vector.load %arg8[%get3A_47, %get3A_48] : memref<96x96xf32, #tpu.memory_space<vmem>>, vector<96x96xf32>
    %dot_general3A_50 = arith.constant dense<0.000000e+00> : vector<96x4096xf32>
    %dot_general3A_51 = tpu.matmul %get3A_49, %dot_general3A_40, %dot_general3A_50 {dimension_numbers = #tpu.dot_dimension_numbers<[1], [0], [0], [1], [0, 0, 1, 1], [], []>, transpose_lhs_hint = false} : vector<96x96xf32>, vector<96x4096xf32>, vector<96x4096xf32> -> vector<96x4096xf32>
    %get3A_52 = arith.constant 0 : index
    %get3A_53 = arith.constant 0 : index
    %get3A_54 = vector.load %arg9[%get3A_52, %get3A_53] : memref<96x1xf32, #tpu.memory_space<vmem>>, vector<96x1xf32>
    %add3A_55 = vector.broadcast %get3A_54 : vector<96x1xf32> to vector<96x4096xf32>
    %add3A_56 = arith.addf %dot_general3A_51, %add3A_55 : vector<96x4096xf32>
    %max3A_57 = arith.constant 0.000000e+00 : f32
    %max3A_58 = vector.broadcast %max3A_57 : f32 to vector<96x4096xf32>
    %max3A_59 = arith.maximumf %add3A_56, %max3A_58 : vector<96x4096xf32>
    %dot_general3A_60 = arith.constant dense<0.000000e+00> : vector<96x4096xf32>
    %dot_general3A_61 = tpu.matmul %get3A_8, %max3A_59, %dot_general3A_60 {dimension_numbers = #tpu.dot_dimension_numbers<[1], [0], [0], [1], [0, 0, 1, 1], [], []>, transpose_lhs_hint = false} : vector<96x96xf32>, vector<96x4096xf32>, vector<96x4096xf32> -> vector<96x4096xf32>
    %swap3A_62 = arith.constant 0 : index
    %swap3A_63 = arith.constant 0 : index
    %swap3A_64 = arith.constant 0 : index
    %swap3A_65 = vector.load %arg12[%swap3A_62, %swap3A_63, %swap3A_64] : memref<1x96x4096xf32, #tpu.memory_space<vmem>>, vector<1x96x4096xf32>
    %swap3A_66 = vector.shape_cast %swap3A_65 : vector<1x96x4096xf32> to vector<96x4096xf32>
    %swap3A_67 = vector.shape_cast %dot_general3A_61 : vector<96x4096xf32> to vector<1x96x4096xf32>
    tpu.vector_store %arg12[%swap3A_62, %swap3A_63, %swap3A_64], %swap3A_67 {strides = array<i32>} : memref<1x96x4096xf32, #tpu.memory_space<vmem>>, vector<1x96x4096xf32>,
    return
  }
  func.func @transform_0(%arg0: i32, %arg1: i32) -> (i32, i32, i32) {
    %c0_i32 = arith.constant 0 : i32
    %c0_i32_0 = arith.constant 0 : i32
    return %arg0, %c0_i32, %arg1 : i32, i32, i32
  }
  func.func @transform_1(%arg0: i32, %arg1: i32) -> (i32, i32, i32) {
    %c0_i32 = arith.constant 0 : i32
    %c0_i32_0 = arith.constant 0 : i32
    %c0_i32_1 = arith.constant 0 : i32
    return %arg0, %c0_i32, %c0_i32_0 : i32, i32, i32
  }
  func.func @transform_2(%arg0: i32, %arg1: i32) -> (i32, i32) {
    %c0_i32 = arith.constant 0 : i32
    %c0_i32_0 = arith.constant 0 : i32
    %c0_i32_1 = arith.constant 0 : i32
    return %c0_i32, %c0_i32_0 : i32, i32
  }
  func.func @transform_3(%arg0: i32, %arg1: i32) -> (i32, i32) {
    %c0_i32 = arith.constant 0 : i32
    %c0_i32_0 = arith.constant 0 : i32
    %c0_i32_1 = arith.constant 0 : i32
    return %c0_i32, %c0_i32_0 : i32, i32
  }
  func.func @transform_4(%arg0: i32, %arg1: i32) -> (i32, i32) {
    %c0_i32 = arith.constant 0 : i32
    %c0_i32_0 = arith.constant 0 : i32
    %c0_i32_1 = arith.constant 0 : i32
    return %c0_i32, %c0_i32_0 : i32, i32
  }
  func.func @transform_5(%arg0: i32, %arg1: i32) -> (i32, i32) {
    %c0_i32 = arith.constant 0 : i32
    %c0_i32_0 = arith.constant 0 : i32
    %c0_i32_1 = arith.constant 0 : i32
    return %c0_i32, %c0_i32_0 : i32, i32
  }
  func.func @transform_6(%arg0: i32, %arg1: i32) -> (i32, i32) {
    %c0_i32 = arith.constant 0 : i32
    %c0_i32_0 = arith.constant 0 : i32
    %c0_i32_1 = arith.constant 0 : i32
    return %c0_i32, %c0_i32_0 : i32, i32
  }
  func.func @transform_7(%arg0: i32, %arg1: i32) -> (i32, i32) {
    %c0_i32 = arith.constant 0 : i32
    %c0_i32_0 = arith.constant 0 : i32
    %c0_i32_1 = arith.constant 0 : i32
    return %c0_i32, %c0_i32_0 : i32, i32
  }
  func.func @transform_8(%arg0: i32, %arg1: i32) -> (i32, i32, i32) {
    %c0_i32 = arith.constant 0 : i32
    %c0_i32_0 = arith.constant 0 : i32
    return %arg0, %c0_i32, %arg1 : i32, i32, i32
  }
  func.func @transform_9(%arg0: i32, %arg1: i32) -> (i32, i32, i32) {
    %c0_i32 = arith.constant 0 : i32
    %c0_i32_0 = arith.constant 0 : i32
    return %arg0, %c0_i32, %arg1 : i32, i32, i32
  }
  func.func @transform_10(%arg0: i32, %arg1: i32) -> (i32, i32, i32) {
    %c0_i32 = arith.constant 0 : i32
    %c0_i32_0 = arith.constant 0 : i32
    return %arg0, %c0_i32, %arg1 : i32, i32, i32
  }
}

</mosaic_0001>

<sc_bundles>
// kernel: sparse-core-data-format-call.1.cloned.1.call-start
scs
called_computation.1_lowered:
.L_overlay_start_0:
0x0: {  	s2 =	sld [smem:$0x3FD9]  }
0x1: {  	s3 =	sld [smem:$0x3FFE];
	_ =	sdelay $0x1  }
0x2: {  	s1 =	srdreg.scid  }
0x3: {  	s0 =	sand.u32 $0x1, s1  }
0x4: {  	s15 =	sshll.u32 s0, $0xA;
	s2 =	sadd.s32 s3, s2  }
0x5: {  	s2 =	sadd.s32 s2, s15  }
0x6: {  	[smem:$0x3FC0] =	sst s2  }
0x7: {  	_ = 	snop  }
0x8: {  	s2 =	sld [smem:$0x3FD0];
	_ =	sdelay $0x2  }
0x9: {  	s16 =	simm.s32 $0xC;
	s4 =	simm.s32 $0x10  }
0xa: {  	[smem:s4], [sflag:s16] =	dma.local [hbm:s2], $0x1  }
0xb: {  	_ =	swait.eq [sflag:s16], $0x1  }
0xc: {  	[sflag:s16] =	ssyncset.done $0x0  }
0xd: {  	[sflag:s16] =	ssyncadd.s32 $0xFFFFFFFF  }
0xe: {  	s17 =	sld [smem:$0x11];
	(tm) =	ssettm $0x1  }
0xf: {  	s18 =	sld [smem:$0x3FFB];
	_ =	sdelay $0x3  }
0x10: {  	_ =	strace s18  }
0x11: {  	s3 =	sld [smem:$0x3FFC];
	_ =	sdelay $0x3  }
0x12: {  	_ =	strace s3  }
0x13: {  	s3 =	sld [smem:$0x3FFD];
	_ =	sdelay $0x3  }
0x14: {  	_ =	strace s3  }
0x15: {  	_ =	strace $0x8FFFFFFF  }
0x16: {  	s19 =	sld [smem:$0x3FDB];
	_ =	sdelay $0x1  }
0x17: {  	s20 =	simm.s32 $_scs_section_size  }
0x18: {  	s5 =	simm.s32 $_size__tile_overlayer_lowered;
	s6 =	simm.s32 $_tile_overlayer_lowered  }
0x19: {  	s23 =	simm.s32 $0x1BFF;
	s22 =	sshll.u32 s6, $0x1;
	s3 =	sadd.s32 s20, s19  }
0x1a: {  	s7 =	simm.s32 $0x0;
	s21 =	sshll.u32 s5, $0x1;
	s5 =	sadd.s32 s22, s3  }
0x1b: {  	[timem:s7], [sflag:s23] =	dma.local [hbm:s5], s21  }
0x1c: {  	_ =	swait.ge [sflag:s23], s21  }
0x1d: {  	s4 =	ssub.s32 $0x0, s21;
	[sflag:s23] =	ssyncset.done $0x0  }
0x1e: {  	[sflag:s23] =	ssyncadd.s32 s4;
	_ =	sdelay $0x1  }
0x1f: {  	s24 =	simm.s32 $0x1B8B  }
0x20: {  	_ =	swait.ge [sflag:s24], $0x1  }
0x21: {  	[sflag:s24] =	ssyncset.done $0x0  }
0x22: {  	s26 =	simm.s32 $0x1B8E;
	s25 =	sld [smem:$0x3FFE];
	[sflag:s24] =	ssyncadd.s32 $0xFFFFFFFF  }
0x23: {  	s27 =	simm.s32 $execute0_lowered;
	[smem:$0x3FD2] =	sst s26  }
0x24: {  	s5 =	sshll.u32 s27, $0x1;
	_ =	strace $0x80000046;
	[dreg:$0x1] =	wrdreg $0xFFFFFFFF  }
0x25: {  	s28 =	simm.s32 $_size_execute0_lowered;
	s3 =	sadd.s32 s3, s5;
	[dreg:$0x0] =	wrdreg $0x0  }
0x26: {  	s5 =	sshll.u32 s28, $0x1;
	[dreg:$0x2] =	wrdreg s3  }
0x27: {  	[dreg:$0x3] =	wrdreg s5  }
0x28: {  	[dreg:$0x4] =	wrdreg $0xC0  }
0x29: {  	_ =	task [dreg:s7], $0x5FFFF  }
0x2a: {  	[dreg:$0x1] =	wrdreg $0xFFFFFFFF  }
0x2b: {  	[dreg:$0x0] =	wrdreg $0x60  }
0x2c: {  	[dreg:$0x2] =	wrdreg s25  }
0x2d: {  	[dreg:$0x3] =	wrdreg s17  }
0x2e: {  	[dreg:$0x4] =	wrdreg $0xA  }
0x2f: {  	_ =	task.clear_ibuf [dreg:s7], $0x5FFFF;
	_ =	strace $0x90000046  }
0x30: {  	s29 =	simm.s32 $0xA;
	_ =	strace $0x80000048  }
0x31: {  	_ =	swait.ge [sflag:s29], $0x1  }
0x32: {  	[sflag:s29] =	ssyncadd.s32 $0xFFFFFFFF  }
0x33: {  	_ =	strace $0x90000048  }
0x34: {  	_ =	sfence  }
0x35: {  	s30 =	sld [smem:$0x0];
	_ =	sdelay $0x2  }
0x36: {  	s31 =	sshll.u32 s1, $0xD;
	s1 =	sshrl.u32 s1, $0x2  }
0x37: {  	s3 =	sand.u32 $0x4000, s31;
	s1 =	sadd.s32 s1, s30  }
0x38: {  	s0 =	sor.u32 s3, s0;
	s1 =	sshll.u32 s1, $0x11  }
0x39: {  	s0 =	sor.u32 s1, s0  }
0x3a: {  	s0 =	sadd.s32 $0x8F2B, s0  }
0x3b: {  	[sflag:s0] =	ssyncadd.remote.s32 $0x1  }
0x3c: {  	_ =	sfence.sel $0xFFFF  }
0x3d: {  	[dreg:$0x0] =	wrdreg $0xFFFFFFFF;
	(pc) =	sbr.abs _section_cstart, $3  }
0x3e: {  	[dreg:$0x1] =	wrdreg $0xFFFFFFFF  }
0x3f: {  	_ =	task.clear_ibuf [dreg:s7], $0x2FFFF;
	_ =	strace $0x9FFFFFFF  }
0x40: {  	(tm) =	ssettm $0x7FFFFFFF  }
0x41: {  	_ =	shalt  }
tec
execute0_lowered:
.L_overlay_start_1:
0x0: {  	(tag) =	ssettag $0x1  }
0x1: {  	s1 =	rddreg [dreg:$0x0]  }
0x2: {  	s2 =	rddreg [dreg:$0x1]  }
0x3: {  	s0 =	rddreg [dreg:$0x2];
	_ =	strace $0x80000047;
	s4 =	srdreg.scid  }
0x4: {  	s6 =	simm.s32 $0x2;
	s11 =	simm.s32 $0x0;
	p0 =	por $0x0, $0x0  }
.Ltmp0:
0x5: {  	s7 =	simm.s32 $0x4000;
	s12 =	simm.s32 $0x0;
	(pc) =	sbr.rel .LBB1_1-.Ltmp0, $4  }
0x6: {  	s9 =	simm.s32 $0x0;
	s3 =	sadd.s32 $0x1600, s1;
	s5 =	sshll.u32 s4, $0x4  }
0x7: {  	s1 =	stileid.u32;
	s4 =	simm.s32 $0x1;
	s5 =	sand.u32 $0x10, s5  }
0x8: {  	s8 =	simm.s32 $0x0;
	[sflag:s4] =	ssyncpa.u1 $0x0;
	s5 =	sor.u32 s1, s5  }
0x9: {  	[sflag:s6] =	ssyncpa.u1 $0x0;
	s6 =	simm.s32 $0x800;
	s10 =	smov.u32 s5  }
.LBB1_7:
0xa: {  	s13 =	sadd.s32 $0x10, s9  }
0xb: {  	s11 =	sadd.s32 $0x20, s10;
	s15 =	smov.u32 s10;
	p2 =	sgt.s32 s13, $0x7F  }
0xc: {  	p1 =	slt.u32 s8, $0x2;
	s15 =	smov.u32 @p2 s11  }
0xd: {  	s8 =	sadd.s32 $0x1, s8;
	s13 =	simm.s32 @p2 $0x0;
	p2 =	sgt.s32 s15, $0x5F  }
0xe: {  	s15 =	smov.u32 @p2 s5;
	p2 =	sne.s32 s8, $0x1A  }
.Ltmp1:
0xf: {  	_ = 	snop;
	(pc) =	sbr.rel @!p2 .LBB1_8-.Ltmp1, $4  }
0x10: {  	s14 =	simm.s32 @!p1 $0x2  }
0x11: {  	s12 =	smov.u32 s10;
	_ =	swait.ge @!p1 [sflag:s14], $0x4000  }
0x12: {  	p0 =	por !p0, !p0;
	s11 =	smov.u32 s9;
	[sflag:s14] =	ssyncset.done @!p1 $0x0  }
0x13: {  	s9 =	smov.u32 s13;
	[sflag:s14] =	ssyncadd.s32 @!p1 $0xFFFFC000;
	s10 =	smov.u32 s15  }
.LBB1_1:
0x14: {  	p1 =	sgt.u32 s8, $0x17  }
0x15: {  	s13 =	sxor.u32 @!p1 $0xFFFFFFFF, s8;
	s14 =	sshll.u32 @!p1 s10, $0xE  }
0x16: {  	s15 =	sshll.u32 @!p1 s9, $0x7;
	s13 =	sshll.u32 @!p1 s13, $0xE;
	s14 =	sadd.s32 @!p1 s3, s14  }
0x17: {  	s13 =	sand.u32 @!p1 $0x4000, s13;
	s14 =	sadd.s32 @!p1 s15, s14;
	s15 =	simm.s32 @!p1 $0x0  }
0x18: {  	[tilespmem:s13], [sflag:$0x1] =	stream.linear.gather @!p1 [hbm4b:s14+s15], $0x4000, $0x38;
	[tilespmem:$0x10000] =	vst v63  }
0x19: {  	p1 =	seq.s32 s8, $0x0  }
0x1a: {  	p2 =	seq.s32 @!p1 s8, $0x19  }
0x1b: {  	p1 =	por p1, p2  }
.Ltmp2:
0x1c: {  	_ = 	snop;
	(pc) =	sbr.rel @p1 .LBB1_7-.Ltmp2, $1  }
0x1d: {  	_ =	sdelay $0x3  }
0x1e: {  	s13 =	simm.s32 $0x1;
	_ =	swait.ge [sflag:s4], $0x4000;
	s16 =	sshll.u32 s8, $0xE  }
0x1f: {  	s13 =	simm.s32 @!p0 $0x0;
	[sflag:s4] =	ssyncset.done $0x0;
	s31 =	sand.u32 $0x4000, s16  }
0x20: {  	s16 =	simm.s32 $0x0;
	s14 =	sshll.u32 s13, $0xE;
	[sflag:s4] =	ssyncadd.s32 $0xFFFFC000  }
0x21: {  	s13 =	sor.u32 $0x8040, s14;
	s15 =	sor.u32 $0x40, s14;
	s14 =	sor.u32 $0x8000, s31  }
.LBB1_3:
0x22: {  	v0 =	vmov s15;
	_ =	sdelay $0x3  }
0x23: {  	s18 =	simm.s32 $0x0  }
0x24: {  	v6 =	vld.idx.msk [tilespmem:v0+s18+$0x30 ss:$0x1], $0xffff  }
0x25: {  	v7 =	vld.idx.msk [tilespmem:v0+s18+$0xFFFFFFC0 ss:$0x1], $0xffff  }
0x26: {  	v5 =	vld.idx.msk [tilespmem:v0+s18+$0xFFFFFFD0 ss:$0x1], $0xffff  }
0x27: {  	v4 =	vld.idx.msk [tilespmem:v0+s18+$0xFFFFFFE0 ss:$0x1], $0xffff  }
0x28: {  	v3 =	vld.idx.msk [tilespmem:v0+s18+$0xFFFFFFF0 ss:$0x1], $0xffff  }
0x29: {  	v1 =	vld.idx.msk [tilespmem:v0+s18+$0x0 ss:$0x1], $0xffff  }
0x2a: {  	v2 =	vld.idx.msk [tilespmem:v0+s18+$0x10 ss:$0x1], $0xffff;
	[tilespmem:s13+$0x30] =	vst v6  }
0x2b: {  	s17 =	simm.s32 $0x80;
	s19 =	simm.s32 $0x400;
	[tilespmem:s13+$0xFFFFFFC0] =	vst v7;
	v6 =	vld.idx.msk [tilespmem:v0+s18+$0x20 ss:$0x1], $0xffff;
	s18 =	smov.u32 s13  }
.LBB1_4:
0x2c: {  	p1 =	sne.s32 s19, $0xE00;
	v7 =	vld.idx.msk [tilespmem:v0+s17+$0x30 ss:$0x1], $0xffff;
	[tilespmem:s18+$0xFFFFFFD0] =	vst v5  }
0x2d: {  	v8 =	vld.idx.msk [tilespmem:v0+s17+$0xFFFFFFC0 ss:$0x1], $0xffff;
	[tilespmem:s18+$0xFFFFFFE0] =	vst v4  }
0x2e: {  	v5 =	vld.idx.msk [tilespmem:v0+s17+$0xFFFFFFD0 ss:$0x1], $0xffff;
	[tilespmem:s18+$0xFFFFFFF0] =	vst v3  }
.Ltmp3:
0x2f: {  	v4 =	vld.idx.msk [tilespmem:v0+s17+$0xFFFFFFE0 ss:$0x1], $0xffff;
	[tilespmem:s18+$0x0] =	vst v1;
	(pc) =	sbr.rel @p1 .LBB1_4-.Ltmp3, $4  }
0x30: {  	v3 =	vld.idx.msk [tilespmem:v0+s17+$0xFFFFFFF0 ss:$0x1], $0xffff;
	[tilespmem:s18+$0x10] =	vst v2  }
0x31: {  	v1 =	vld.idx.msk [tilespmem:v0+s17+$0x0 ss:$0x1], $0xffff;
	[tilespmem:s18+$0x20] =	vst v6;
	s18 =	sadd.s32 $0x800, s18  }
0x32: {  	v2 =	vld.idx.msk [tilespmem:v0+s17+$0x10 ss:$0x1], $0xffff;
	[tilespmem:s18+$0x30] =	vst v7  }
0x33: {  	[tilespmem:s18+$0xFFFFFFC0] =	vst v8;
	v6 =	vld.idx.msk [tilespmem:v0+s17+$0x20 ss:$0x1], $0xffff;
	s17 =	sshra.s32 s19, $0x2;
	s19 =	sadd.s32 $0x200, s19  }
0x34: {  	_ =	sdelay $0x2  }
0x35: {  	[tilespmem:s18+$0xFFFFFFD0] =	vst v5  }
0x36: {  	v56 =	vld.idx.msk [tilespmem:v0+s17+$0x30 ss:$0x1], $0xffff;
	[tilespmem:s18+$0xFFFFFFE0] =	vst v4  }
0x37: {  	v57 =	vld.idx.msk [tilespmem:v0+s17+$0xFFFFFFC0 ss:$0x1], $0xffff;
	[tilespmem:s18+$0xFFFFFFF0] =	vst v3  }
0x38: {  	v58 =	vld.idx.msk [tilespmem:v0+s17+$0xFFFFFFD0 ss:$0x1], $0xffff;
	[tilespmem:s18+$0x0] =	vst v1  }
0x39: {  	v59 =	vld.idx.msk [tilespmem:v0+s17+$0xFFFFFFE0 ss:$0x1], $0xffff;
	[tilespmem:s18+$0x10] =	vst v2  }
0x3a: {  	v60 =	vld.idx.msk [tilespmem:v0+s17+$0xFFFFFFF0 ss:$0x1], $0xffff;
	s31 =	sadd.s32 $0x800, s18;
	[tilespmem:s18+$0x20] =	vst v6  }
0x3b: {  	v61 =	vld.idx.msk [tilespmem:v0+s17+$0x0 ss:$0x1], $0xffff;
	[tilespmem:s31+$0x30] =	vst v56  }
0x3c: {  	v62 =	vld.idx.msk [tilespmem:v0+s17+$0x10 ss:$0x1], $0xffff;
	s16 =	sadd.s32 $0x1, s16;
	[tilespmem:s31+$0xFFFFFFC0] =	vst v57  }
0x3d: {  	v63 =	vld.idx.msk [tilespmem:v0+s17+$0x20 ss:$0x1], $0xffff;
	p1 =	sne.s32 s16, $0x10;
	[tilespmem:s31+$0xFFFFFFD0] =	vst v58  }
.Ltmp4:
0x3e: {  	[tilespmem:s31+$0xFFFFFFE0] =	vst v59;
	(pc) =	sbr.rel @p1 .LBB1_3-.Ltmp4, $4  }
0x3f: {  	[tilespmem:s31+$0xFFFFFFF0] =	vst v60  }
0x40: {  	[tilespmem:s31+$0x0] =	vst v61  }
0x41: {  	[tilespmem:s31+$0x10] =	vst v62  }
0x42: {  	s13 =	sadd.s32 $0x80, s13;
	s15 =	sadd.s32 $0x400, s15;
	[tilespmem:s31+$0x20] =	vst v63  }
.Ltmp5:
0x43: {  	(pc) =	sbr.rel .LBB1_7-.Ltmp5, $4  }
0x44: {  	s12 =	sshll.u32 s12, $0xE;
	s11 =	sshll.u32 s11, $0x4  }
0x45: {  	s11 =	sand.u32 $0x7F0, s11;
	s12 =	sadd.s32 s2, s12  }
0x46: {  	s11 =	sadd.s32 s11, s12  }
0x47: {  	[hbm4b:s11+s6] =	stream.strided.scatter [tilespmem:s14], [sflag:$0x2], $0x4000, s7, s6, $0x38;
	[tilespmem:$0x10000] =	vst v63  }
.LBB1_8:
0x48: {  	_ =	sfence.sel $0x180000  }
0x49: {  	s2 =	simm.s32 $0x1;
	[bflag:$0x0] =	sbarrier.arrive $0xFFFF  }
0x4a: {  	s31 =	simm.s32 $0x2;
	[sflag:s2] =	ssyncpa.u1 $0x1  }
0x4b: {  	[sflag:s31] =	ssyncpa.u1 $0x1  }
0x4c: {  	p0 =	sne.s32 s1, $0x0;
	_ =	strace $0x90000047  }
0x4d: {  	s0 =	sadd.s32 @!p0 $0x100000, s0;
	[bflag:$0x2] =	sbarrier.arrive $0xFFFF  }
0x4e: {  	[sflag:s0] =	ssyncadd.tile.s32 @!p0 $0x1;
	_ =	shalt  }
.Lfunc_end1:
_tile_overlayer_lowered:
.L_overlay_start_2:
0x4f: {  	(tag) =	ssettag $0x2  }
0x50: {  	s0 =	rddreg [dreg:$0x0];
	s2 =	stileid.u32  }
0x51: {  	s1 =	rddreg [dreg:$0x1];
	p0 =	sne.s32 s2, $0x0  }
0x52: {  	s3 =	rddreg [dreg:$0x2];
	[bflag:$0x3] =	sbarrier.arrive $0xFFFF;
	s2 =	simm.s32 @!p0 $0x1C01  }
0x53: {  	[timem:s3], [sflag:s2] =	dma.local @!p0 [hbm:s0], s1  }
0x54: {  	s0 =	simm.s32 @!p0 $0x1  }
0x55: {  	_ =	swait.ge @!p0 [sflag:s0], s1  }
0x56: {  	s1 =	ssub.s32 @!p0 $0x0, s1;
	[sflag:s0] =	ssyncset.done @!p0 $0x0  }
0x57: {  	[sflag:s0] =	ssyncadd.s32 @!p0 s1  }
0x58: {  	[bflag:$0x3] =	sbarrier.arrive $0xFFFF  }
0x59: {  	_ =	shalt  }

// kernel: sparse-core-data-format-call.2.cloned.1.call-start
scs
called_computation.2_lowered:
.L_overlay_start_0:
0x0: {  	s2 =	sld [smem:$0x3FD9]  }
0x1: {  	s3 =	sld [smem:$0x3FFE];
	_ =	sdelay $0x1  }
0x2: {  	s1 =	srdreg.scid  }
0x3: {  	s0 =	sand.u32 $0x1, s1  }
0x4: {  	s16 =	sshll.u32 s0, $0xA;
	s2 =	sadd.s32 s3, s2  }
0x5: {  	s2 =	sadd.s32 s2, s16  }
0x6: {  	[smem:$0x3FC0] =	sst s2  }
0x7: {  	_ = 	snop  }
0x8: {  	s2 =	sld [smem:$0x3FD0];
	_ =	sdelay $0x2  }
0x9: {  	s17 =	simm.s32 $0xC;
	s4 =	simm.s32 $0x10  }
0xa: {  	[smem:s4], [sflag:s17] =	dma.local [hbm:s2], $0x1  }
0xb: {  	_ =	swait.eq [sflag:s17], $0x1  }
0xc: {  	[sflag:s17] =	ssyncset.done $0x0  }
0xd: {  	[sflag:s17] =	ssyncadd.s32 $0xFFFFFFFF  }
0xe: {  	s18 =	sld [smem:$0x10];
	(tm) =	ssettm $0x1  }
0xf: {  	s19 =	sld [smem:$0x3FFB];
	_ =	sdelay $0x3  }
0x10: {  	_ =	strace s19  }
0x11: {  	s2 =	sld [smem:$0x3FFC];
	_ =	sdelay $0x3  }
0x12: {  	_ =	strace s2  }
0x13: {  	s2 =	sld [smem:$0x3FFD];
	_ =	sdelay $0x3  }
0x14: {  	_ =	strace s2  }
0x15: {  	_ =	strace $0x8FFFFFFF  }
0x16: {  	s20 =	sld [smem:$0x3FDB];
	_ =	sdelay $0x1  }
0x17: {  	s21 =	simm.s32 $_scs_section_size  }
0x18: {  	s5 =	simm.s32 $_size__tile_overlayer_lowered;
	s6 =	simm.s32 $_tile_overlayer_lowered  }
0x19: {  	s7 =	simm.s32 $0x1BFF;
	s22 =	sshll.u32 s6, $0x1;
	s4 =	sadd.s32 s21, s20  }
0x1a: {  	s23 =	simm.s32 $0x0;
	s5 =	sshll.u32 s5, $0x1;
	s6 =	sadd.s32 s22, s4  }
0x1b: {  	[timem:s23], [sflag:s7] =	dma.local [hbm:s6], s5  }
0x1c: {  	_ =	swait.ge [sflag:s7], s5  }
0x1d: {  	s5 =	ssub.s32 $0x0, s5;
	[sflag:s7] =	ssyncset.done $0x0  }
0x1e: {  	[sflag:s7] =	ssyncadd.s32 s5;
	_ =	sdelay $0x1  }
0x1f: {  	s24 =	simm.s32 $0x1B8B  }
0x20: {  	_ =	swait.ge [sflag:s24], $0x1  }
0x21: {  	[sflag:s24] =	ssyncset.done $0x0  }
0x22: {  	[sflag:s24] =	ssyncadd.s32 $0xFFFFFFFF  }
0x23: {  	s5 =	sld [smem:$0x0]  }
0x24: {  	s6 =	sand.u32 $0xFFFFFFFE, s1  }
0x25: {  	p0 =	sne.s32 s1, s6  }
0x26: {  	s6 =	sshll.u32 @p0 s6, $0xE  }
0x27: {  	s6 =	sadd.s32 @p0 $0x11B8D, s6;
	s7 =	sshll.u32 @p0 s5, $0x11  }
0x28: {  	s6 =	sor.u32 @p0 s7, s6  }
0x29: {  	[sflag:s6] =	ssyncadd.remote.s32 @p0 $0x1;
	_ =	sdelay $0x1  }
0x2a: {  	s6 =	simm.s32 @p0 $0x1B8D  }
0x2b: {  	_ =	swait.eq @p0 [sflag:s6], $0x1  }
0x2c: {  	[sflag:s6] =	ssyncadd.s32 @p0 $0xFFFFFFFF  }
0x2d: {  	s7 =	sshll.u32 @!p0 s1, $0xE  }
0x2e: {  	s7 =	sor.u32 @!p0 $0x4000, s7;
	s6 =	simm.s32 @!p0 $0x1B8D  }
0x2f: {  	s5 =	sshll.u32 @!p0 s5, $0x11;
	s7 =	sadd.s32 @!p0 $0x11B8D, s7;
	_ =	swait.eq @!p0 [sflag:s6], $0x1  }
0x30: {  	s5 =	sor.u32 @!p0 s5, s7;
	[sflag:s6] =	ssyncadd.s32 @!p0 $0xFFFFFFFF  }
0x31: {  	s26 =	simm.s32 $0x1B8E;
	s25 =	sld [smem:$0x3FFE];
	[sflag:s5] =	ssyncadd.remote.s32 @!p0 $0x1  }
0x32: {  	s27 =	simm.s32 $execute0_lowered;
	[smem:$0x3FD2] =	sst s26  }
0x33: {  	s6 =	sshll.u32 s27, $0x1;
	_ =	strace $0x80000049;
	[dreg:$0x1] =	wrdreg $0xFFFFFFFF  }
0x34: {  	s28 =	simm.s32 $_size_execute0_lowered;
	s4 =	sadd.s32 s4, s6;
	[dreg:$0x0] =	wrdreg $0x0  }
0x35: {  	s6 =	sshll.u32 s28, $0x1;
	[dreg:$0x2] =	wrdreg s4  }
0x36: {  	[dreg:$0x3] =	wrdreg s6  }
0x37: {  	[dreg:$0x4] =	wrdreg $0xC0  }
0x38: {  	_ =	task [dreg:s23], $0x5FFFF  }
0x39: {  	[dreg:$0x1] =	wrdreg $0xFFFFFFFF  }
0x3a: {  	[dreg:$0x0] =	wrdreg $0x60  }
0x3b: {  	[dreg:$0x2] =	wrdreg s25  }
0x3c: {  	[dreg:$0x3] =	wrdreg s18  }
0x3d: {  	[dreg:$0x4] =	wrdreg $0xB  }
0x3e: {  	_ =	task.clear_ibuf [dreg:s23], $0x5FFFF;
	_ =	strace $0x90000049  }
0x3f: {  	s29 =	simm.s32 $0xB;
	_ =	strace $0x8000004B  }
0x40: {  	_ =	swait.ge [sflag:s29], $0x1  }
0x41: {  	[sflag:s29] =	ssyncadd.s32 $0xFFFFFFFF  }
0x42: {  	_ =	strace $0x9000004B  }
0x43: {  	_ =	sfence  }
0x44: {  	s30 =	sld [smem:$0x0];
	_ =	sdelay $0x2  }
0x45: {  	s31 =	sshll.u32 s1, $0xD;
	s1 =	sshrl.u32 s1, $0x2  }
0x46: {  	s4 =	sand.u32 $0x4000, s31;
	s1 =	sadd.s32 s1, s30  }
0x47: {  	s0 =	sor.u32 s4, s0;
	s1 =	sshll.u32 s1, $0x11  }
0x48: {  	s0 =	sor.u32 s1, s0  }
0x49: {  	s0 =	sadd.s32 $0x8F2B, s0  }
0x4a: {  	[sflag:s0] =	ssyncadd.remote.s32 $0x1  }
0x4b: {  	_ =	sfence.sel $0xFFFF  }
0x4c: {  	[dreg:$0x0] =	wrdreg $0xFFFFFFFF;
	(pc) =	sbr.abs _section_cstart, $3  }
0x4d: {  	[dreg:$0x1] =	wrdreg $0xFFFFFFFF  }
0x4e: {  	_ =	task.clear_ibuf [dreg:s23], $0x2FFFF;
	_ =	strace $0x9FFFFFFF  }
0x4f: {  	(tm) =	ssettm $0x7FFFFFFF  }
tec
execute0_lowered:
.L_overlay_start_1:
0x0: {  	(tag) =	ssettag $0x1  }
0x1: {  	s1 =	rddreg [dreg:$0x0]  }
0x2: {  	s2 =	rddreg [dreg:$0x1]  }
0x3: {  	s0 =	rddreg [dreg:$0x2];
	_ =	strace $0x8000004A;
	s4 =	srdreg.scid  }
0x4: {  	s6 =	simm.s32 $0x2;
	s11 =	simm.s32 $0x0;
	p0 =	por $0x0, $0x0  }
.Ltmp0:
0x5: {  	s7 =	simm.s32 $0x4000;
	s12 =	simm.s32 $0x0;
	(pc) =	sbr.rel .LBB1_1-.Ltmp0, $4  }
0x6: {  	s9 =	simm.s32 $0x0;
	s3 =	sadd.s32 $0x181600, s1;
	s5 =	sshll.u32 s4, $0x4  }
0x7: {  	s1 =	stileid.u32;
	s4 =	simm.s32 $0x1;
	s5 =	sand.u32 $0x10, s5  }
0x8: {  	s8 =	simm.s32 $0x0;
	[sflag:s4] =	ssyncpa.u1 $0x0;
	s5 =	sor.u32 s1, s5  }
0x9: {  	[sflag:s6] =	ssyncpa.u1 $0x0;
	s6 =	simm.s32 $0x800;
	s10 =	smov.u32 s5  }
.LBB1_7:
0xa: {  	s13 =	sadd.s32 $0x10, s9  }
0xb: {  	s11 =	sadd.s32 $0x20, s10;
	s15 =	smov.u32 s10;
	p2 =	sgt.s32 s13, $0x7F  }
0xc: {  	p1 =	slt.u32 s8, $0x2;
	s15 =	smov.u32 @p2 s11  }
0xd: {  	s8 =	sadd.s32 $0x1, s8;
	s13 =	simm.s32 @p2 $0x0;
	p2 =	sgt.s32 s15, $0x5F  }
0xe: {  	s15 =	smov.u32 @p2 s5;
	p2 =	sne.s32 s8, $0x1A  }
.Ltmp1:
0xf: {  	_ = 	snop;
	(pc) =	sbr.rel @!p2 .LBB1_8-.Ltmp1, $4  }
0x10: {  	s14 =	simm.s32 @!p1 $0x2  }
0x11: {  	s12 =	smov.u32 s10;
	_ =	swait.ge @!p1 [sflag:s14], $0x4000  }
0x12: {  	p0 =	por !p0, !p0;
	s11 =	smov.u32 s9;
	[sflag:s14] =	ssyncset.done @!p1 $0x0  }
0x13: {  	s9 =	smov.u32 s13;
	[sflag:s14] =	ssyncadd.s32 @!p1 $0xFFFFC000;
	s10 =	smov.u32 s15  }
.LBB1_1:
0x14: {  	p1 =	sgt.u32 s8, $0x17  }
0x15: {  	s13 =	sxor.u32 @!p1 $0xFFFFFFFF, s8;
	s14 =	sshll.u32 @!p1 s10, $0xE  }
0x16: {  	s15 =	sshll.u32 @!p1 s9, $0x7;
	s13 =	sshll.u32 @!p1 s13, $0xE;
	s14 =	sadd.s32 @!p1 s3, s14  }
0x17: {  	s13 =	sand.u32 @!p1 $0x4000, s13;
	s14 =	sadd.s32 @!p1 s15, s14;
	s15 =	simm.s32 @!p1 $0x0  }
0x18: {  	[tilespmem:s13], [sflag:$0x1] =	stream.linear.gather @!p1 [hbm4b:s14+s15], $0x4000, $0x38;
	[tilespmem:$0x10000] =	vst v63  }
0x19: {  	p1 =	seq.s32 s8, $0x0  }
0x1a: {  	p2 =	seq.s32 @!p1 s8, $0x19  }
0x1b: {  	p1 =	por p1, p2  }
.Ltmp2:
0x1c: {  	_ = 	snop;
	(pc) =	sbr.rel @p1 .LBB1_7-.Ltmp2, $1  }
0x1d: {  	_ =	sdelay $0x3  }
0x1e: {  	s13 =	simm.s32 $0x1;
	_ =	swait.ge [sflag:s4], $0x4000;
	s16 =	sshll.u32 s8, $0xE  }
0x1f: {  	s13 =	simm.s32 @!p0 $0x0;
	[sflag:s4] =	ssyncset.done $0x0;
	s31 =	sand.u32 $0x4000, s16  }
0x20: {  	s16 =	simm.s32 $0x0;
	s14 =	sshll.u32 s13, $0xE;
	[sflag:s4] =	ssyncadd.s32 $0xFFFFC000  }
0x21: {  	s13 =	sor.u32 $0x8040, s14;
	s15 =	sor.u32 $0x40, s14;
	s14 =	sor.u32 $0x8000, s31  }
.LBB1_3:
0x22: {  	v0 =	vmov s15;
	_ =	sdelay $0x3  }
0x23: {  	s18 =	simm.s32 $0x0  }
0x24: {  	v6 =	vld.idx.msk [tilespmem:v0+s18+$0x30 ss:$0x1], $0xffff  }
0x25: {  	v7 =	vld.idx.msk [tilespmem:v0+s18+$0xFFFFFFC0 ss:$0x1], $0xffff  }
0x26: {  	v5 =	vld.idx.msk [tilespmem:v0+s18+$0xFFFFFFD0 ss:$0x1], $0xffff  }
0x27: {  	v4 =	vld.idx.msk [tilespmem:v0+s18+$0xFFFFFFE0 ss:$0x1], $0xffff  }
0x28: {  	v3 =	vld.idx.msk [tilespmem:v0+s18+$0xFFFFFFF0 ss:$0x1], $0xffff  }
0x29: {  	v1 =	vld.idx.msk [tilespmem:v0+s18+$0x0 ss:$0x1], $0xffff  }
0x2a: {  	v2 =	vld.idx.msk [tilespmem:v0+s18+$0x10 ss:$0x1], $0xffff;
	[tilespmem:s13+$0x30] =	vst v6  }
0x2b: {  	s17 =	simm.s32 $0x80;
	s19 =	simm.s32 $0x400;
	[tilespmem:s13+$0xFFFFFFC0] =	vst v7;
	v6 =	vld.idx.msk [tilespmem:v0+s18+$0x20 ss:$0x1], $0xffff;
	s18 =	smov.u32 s13  }
.LBB1_4:
0x2c: {  	p1 =	sne.s32 s19, $0xE00;
	v7 =	vld.idx.msk [tilespmem:v0+s17+$0x30 ss:$0x1], $0xffff;
	[tilespmem:s18+$0xFFFFFFD0] =	vst v5  }
0x2d: {  	v8 =	vld.idx.msk [tilespmem:v0+s17+$0xFFFFFFC0 ss:$0x1], $0xffff;
	[tilespmem:s18+$0xFFFFFFE0] =	vst v4  }
0x2e: {  	v5 =	vld.idx.msk [tilespmem:v0+s17+$0xFFFFFFD0 ss:$0x1], $0xffff;
	[tilespmem:s18+$0xFFFFFFF0] =	vst v3  }
.Ltmp3:
0x2f: {  	v4 =	vld.idx.msk [tilespmem:v0+s17+$0xFFFFFFE0 ss:$0x1], $0xffff;
	[tilespmem:s18+$0x0] =	vst v1;
	(pc) =	sbr.rel @p1 .LBB1_4-.Ltmp3, $4  }
0x30: {  	v3 =	vld.idx.msk [tilespmem:v0+s17+$0xFFFFFFF0 ss:$0x1], $0xffff;
	[tilespmem:s18+$0x10] =	vst v2  }
0x31: {  	v1 =	vld.idx.msk [tilespmem:v0+s17+$0x0 ss:$0x1], $0xffff;
	[tilespmem:s18+$0x20] =	vst v6;
	s18 =	sadd.s32 $0x800, s18  }
0x32: {  	v2 =	vld.idx.msk [tilespmem:v0+s17+$0x10 ss:$0x1], $0xffff;
	[tilespmem:s18+$0x30] =	vst v7  }
0x33: {  	[tilespmem:s18+$0xFFFFFFC0] =	vst v8;
	v6 =	vld.idx.msk [tilespmem:v0+s17+$0x20 ss:$0x1], $0xffff;
	s17 =	sshra.s32 s19, $0x2;
	s19 =	sadd.s32 $0x200, s19  }
0x34: {  	_ =	sdelay $0x2  }
0x35: {  	[tilespmem:s18+$0xFFFFFFD0] =	vst v5  }
0x36: {  	v56 =	vld.idx.msk [tilespmem:v0+s17+$0x30 ss:$0x1], $0xffff;
	[tilespmem:s18+$0xFFFFFFE0] =	vst v4  }
0x37: {  	v57 =	vld.idx.msk [tilespmem:v0+s17+$0xFFFFFFC0 ss:$0x1], $0xffff;
	[tilespmem:s18+$0xFFFFFFF0] =	vst v3  }
0x38: {  	v58 =	vld.idx.msk [tilespmem:v0+s17+$0xFFFFFFD0 ss:$0x1], $0xffff;
	[tilespmem:s18+$0x0] =	vst v1  }
0x39: {  	v59 =	vld.idx.msk [tilespmem:v0+s17+$0xFFFFFFE0 ss:$0x1], $0xffff;
	[tilespmem:s18+$0x10] =	vst v2  }
0x3a: {  	v60 =	vld.idx.msk [tilespmem:v0+s17+$0xFFFFFFF0 ss:$0x1], $0xffff;
	s31 =	sadd.s32 $0x800, s18;
	[tilespmem:s18+$0x20] =	vst v6  }
0x3b: {  	v61 =	vld.idx.msk [tilespmem:v0+s17+$0x0 ss:$0x1], $0xffff;
	[tilespmem:s31+$0x30] =	vst v56  }
0x3c: {  	v62 =	vld.idx.msk [tilespmem:v0+s17+$0x10 ss:$0x1], $0xffff;
	s16 =	sadd.s32 $0x1, s16;
	[tilespmem:s31+$0xFFFFFFC0] =	vst v57  }
0x3d: {  	v63 =	vld.idx.msk [tilespmem:v0+s17+$0x20 ss:$0x1], $0xffff;
	p1 =	sne.s32 s16, $0x10;
	[tilespmem:s31+$0xFFFFFFD0] =	vst v58  }
.Ltmp4:
0x3e: {  	[tilespmem:s31+$0xFFFFFFE0] =	vst v59;
	(pc) =	sbr.rel @p1 .LBB1_3-.Ltmp4, $4  }
0x3f: {  	[tilespmem:s31+$0xFFFFFFF0] =	vst v60  }
0x40: {  	[tilespmem:s31+$0x0] =	vst v61  }
0x41: {  	[tilespmem:s31+$0x10] =	vst v62  }
0x42: {  	s13 =	sadd.s32 $0x80, s13;
	s15 =	sadd.s32 $0x400, s15;
	[tilespmem:s31+$0x20] =	vst v63  }
.Ltmp5:
0x43: {  	(pc) =	sbr.rel .LBB1_7-.Ltmp5, $4  }
0x44: {  	s12 =	sshll.u32 s12, $0xE;
	s11 =	sshll.u32 s11, $0x4  }
0x45: {  	s11 =	sand.u32 $0x7F0, s11;
	s12 =	sadd.s32 s2, s12  }
0x46: {  	s11 =	sadd.s32 s11, s12  }
0x47: {  	[hbm4b:s11+s6] =	stream.strided.scatter [tilespmem:s14], [sflag:$0x2], $0x4000, s7, s6, $0x38;
	[tilespmem:$0x10000] =	vst v63  }
.LBB1_8:
0x48: {  	_ =	sfence.sel $0x180000  }
0x49: {  	s2 =	simm.s32 $0x1;
	[bflag:$0x0] =	sbarrier.arrive $0xFFFF  }
0x4a: {  	s31 =	simm.s32 $0x2;
	[sflag:s2] =	ssyncpa.u1 $0x1  }
0x4b: {  	[sflag:s31] =	ssyncpa.u1 $0x1  }
0x4c: {  	p0 =	sne.s32 s1, $0x0;
	_ =	strace $0x9000004A  }
0x4d: {  	s0 =	sadd.s32 @!p0 $0x100000, s0;
	[bflag:$0x2] =	sbarrier.arrive $0xFFFF  }
0x4e: {  	[sflag:s0] =	ssyncadd.tile.s32 @!p0 $0x1;
	_ =	shalt  }
.Lfunc_end1:
_tile_overlayer_lowered:
.L_overlay_start_2:
0x4f: {  	(tag) =	ssettag $0x2  }
0x50: {  	s0 =	rddreg [dreg:$0x0];
	s2 =	stileid.u32  }
0x51: {  	s1 =	rddreg [dreg:$0x1];
	p0 =	sne.s32 s2, $0x0  }
0x52: {  	s3 =	rddreg [dreg:$0x2];
	[bflag:$0x3] =	sbarrier.arrive $0xFFFF;
	s2 =	simm.s32 @!p0 $0x1C01  }
0x53: {  	[timem:s3], [sflag:s2] =	dma.local @!p0 [hbm:s0], s1  }
0x54: {  	s0 =	simm.s32 @!p0 $0x1  }
0x55: {  	_ =	swait.ge @!p0 [sflag:s0], s1  }
0x56: {  	s1 =	ssub.s32 @!p0 $0x0, s1;
	[sflag:s0] =	ssyncset.done @!p0 $0x0  }
0x57: {  	[sflag:s0] =	ssyncadd.s32 @!p0 s1  }
0x58: {  	[bflag:$0x3] =	sbarrier.arrive $0xFFFF  }
0x59: {  	_ =	shalt  }

// kernel: sparse-core-data-format-call.cloned.1.call-start
scs
called_computation_lowered:
.L_overlay_start_0:
0x0: {  	s2 =	sld [smem:$0x3FD9]  }
0x1: {  	s3 =	sld [smem:$0x3FFE];
	_ =	sdelay $0x1  }
0x2: {  	s1 =	srdreg.scid  }
0x3: {  	s0 =	sand.u32 $0x1, s1  }
0x4: {  	s16 =	sshll.u32 s0, $0xA;
	s2 =	sadd.s32 s3, s2  }
0x5: {  	s2 =	sadd.s32 s2, s16  }
0x6: {  	[smem:$0x3FC0] =	sst s2  }
0x7: {  	_ = 	snop  }
0x8: {  	s2 =	sld [smem:$0x3FD0];
	_ =	sdelay $0x2  }
0x9: {  	s17 =	simm.s32 $0xC;
	s4 =	simm.s32 $0x10  }
0xa: {  	[smem:s4], [sflag:s17] =	dma.local [hbm:s2], $0x1  }
0xb: {  	_ =	swait.eq [sflag:s17], $0x1  }
0xc: {  	[sflag:s17] =	ssyncset.done $0x0  }
0xd: {  	[sflag:s17] =	ssyncadd.s32 $0xFFFFFFFF  }
0xe: {  	s18 =	sld [smem:$0x12];
	(tm) =	ssettm $0x1  }
0xf: {  	s19 =	sld [smem:$0x3FFB];
	_ =	sdelay $0x3  }
0x10: {  	_ =	strace s19  }
0x11: {  	s2 =	sld [smem:$0x3FFC];
	_ =	sdelay $0x3  }
0x12: {  	_ =	strace s2  }
0x13: {  	s2 =	sld [smem:$0x3FFD];
	_ =	sdelay $0x3  }
0x14: {  	_ =	strace s2  }
0x15: {  	_ =	strace $0x8FFFFFFF  }
0x16: {  	s20 =	sld [smem:$0x3FDB];
	_ =	sdelay $0x1  }
0x17: {  	s21 =	simm.s32 $_scs_section_size  }
0x18: {  	s5 =	simm.s32 $_size__tile_overlayer_lowered;
	s6 =	simm.s32 $_tile_overlayer_lowered  }
0x19: {  	s7 =	simm.s32 $0x1BFF;
	s22 =	sshll.u32 s6, $0x1;
	s4 =	sadd.s32 s21, s20  }
0x1a: {  	s23 =	simm.s32 $0x0;
	s5 =	sshll.u32 s5, $0x1;
	s6 =	sadd.s32 s22, s4  }
0x1b: {  	[timem:s23], [sflag:s7] =	dma.local [hbm:s6], s5  }
0x1c: {  	_ =	swait.ge [sflag:s7], s5  }
0x1d: {  	s5 =	ssub.s32 $0x0, s5;
	[sflag:s7] =	ssyncset.done $0x0  }
0x1e: {  	[sflag:s7] =	ssyncadd.s32 s5;
	_ =	sdelay $0x1  }
0x1f: {  	s24 =	simm.s32 $0x1B8B  }
0x20: {  	_ =	swait.ge [sflag:s24], $0x1  }
0x21: {  	[sflag:s24] =	ssyncset.done $0x0  }
0x22: {  	[sflag:s24] =	ssyncadd.s32 $0xFFFFFFFF  }
0x23: {  	s5 =	sld [smem:$0x0]  }
0x24: {  	s6 =	sand.u32 $0xFFFFFFFE, s1  }
0x25: {  	p0 =	sne.s32 s1, s6  }
0x26: {  	s6 =	sshll.u32 @p0 s6, $0xE  }
0x27: {  	s6 =	sadd.s32 @p0 $0x11B8D, s6;
	s7 =	sshll.u32 @p0 s5, $0x11  }
0x28: {  	s6 =	sor.u32 @p0 s7, s6  }
0x29: {  	[sflag:s6] =	ssyncadd.remote.s32 @p0 $0x1;
	_ =	sdelay $0x1  }
0x2a: {  	s6 =	simm.s32 @p0 $0x1B8D  }
0x2b: {  	_ =	swait.eq @p0 [sflag:s6], $0x1  }
0x2c: {  	[sflag:s6] =	ssyncadd.s32 @p0 $0xFFFFFFFF  }
0x2d: {  	s7 =	sshll.u32 @!p0 s1, $0xE  }
0x2e: {  	s7 =	sor.u32 @!p0 $0x4000, s7;
	s6 =	simm.s32 @!p0 $0x1B8D  }
0x2f: {  	s5 =	sshll.u32 @!p0 s5, $0x11;
	s7 =	sadd.s32 @!p0 $0x11B8D, s7;
	_ =	swait.eq @!p0 [sflag:s6], $0x1  }
0x30: {  	s5 =	sor.u32 @!p0 s5, s7;
	[sflag:s6] =	ssyncadd.s32 @!p0 $0xFFFFFFFF  }
0x31: {  	s26 =	simm.s32 $0x1B8E;
	s25 =	sld [smem:$0x3FFE];
	[sflag:s5] =	ssyncadd.remote.s32 @!p0 $0x1  }
0x32: {  	s27 =	simm.s32 $execute0_lowered;
	[smem:$0x3FD2] =	sst s26  }
0x33: {  	s6 =	sshll.u32 s27, $0x1;
	_ =	strace $0x8000004C;
	[dreg:$0x1] =	wrdreg $0xFFFFFFFF  }
0x34: {  	s28 =	simm.s32 $_size_execute0_lowered;
	s4 =	sadd.s32 s4, s6;
	[dreg:$0x0] =	wrdreg $0x0  }
0x35: {  	s6 =	sshll.u32 s28, $0x1;
	[dreg:$0x2] =	wrdreg s4  }
0x36: {  	[dreg:$0x3] =	wrdreg s6  }
0x37: {  	[dreg:$0x4] =	wrdreg $0xC0  }
0x38: {  	_ =	task [dreg:s23], $0x5FFFF  }
0x39: {  	[dreg:$0x1] =	wrdreg $0xFFFFFFFF  }
0x3a: {  	[dreg:$0x0] =	wrdreg $0x60  }
0x3b: {  	[dreg:$0x2] =	wrdreg s25  }
0x3c: {  	[dreg:$0x3] =	wrdreg s18  }
0x3d: {  	[dreg:$0x4] =	wrdreg $0x9  }
0x3e: {  	_ =	task.clear_ibuf [dreg:s23], $0x5FFFF;
	_ =	strace $0x9000004C  }
0x3f: {  	s29 =	simm.s32 $0x9;
	_ =	strace $0x8000004E  }
0x40: {  	_ =	swait.ge [sflag:s29], $0x1  }
0x41: {  	[sflag:s29] =	ssyncadd.s32 $0xFFFFFFFF  }
0x42: {  	_ =	strace $0x9000004E  }
0x43: {  	_ =	sfence  }
0x44: {  	s30 =	sld [smem:$0x0];
	_ =	sdelay $0x2  }
0x45: {  	s31 =	sshll.u32 s1, $0xD;
	s1 =	sshrl.u32 s1, $0x2  }
0x46: {  	s4 =	sand.u32 $0x4000, s31;
	s1 =	sadd.s32 s1, s30  }
0x47: {  	s0 =	sor.u32 s4, s0;
	s1 =	sshll.u32 s1, $0x11  }
0x48: {  	s0 =	sor.u32 s1, s0  }
0x49: {  	s0 =	sadd.s32 $0x8F2B, s0  }
0x4a: {  	[sflag:s0] =	ssyncadd.remote.s32 $0x1  }
0x4b: {  	_ =	sfence.sel $0xFFFF  }
0x4c: {  	[dreg:$0x0] =	wrdreg $0xFFFFFFFF;
	(pc) =	sbr.abs _section_cstart, $3  }
0x4d: {  	[dreg:$0x1] =	wrdreg $0xFFFFFFFF  }
0x4e: {  	_ =	task.clear_ibuf [dreg:s23], $0x2FFFF;
	_ =	strace $0x9FFFFFFF  }
0x4f: {  	(tm) =	ssettm $0x7FFFFFFF  }
tec
execute0_lowered:
.L_overlay_start_1:
0x0: {  	(tag) =	ssettag $0x1  }
0x1: {  	s1 =	rddreg [dreg:$0x0]  }
0x2: {  	s2 =	rddreg [dreg:$0x1]  }
0x3: {  	s0 =	rddreg [dreg:$0x2];
	_ =	strace $0x8000004D;
	s4 =	srdreg.scid  }
0x4: {  	s6 =	simm.s32 $0x2;
	s11 =	simm.s32 $0x0;
	p0 =	por $0x0, $0x0  }
.Ltmp0:
0x5: {  	s7 =	simm.s32 $0x4000;
	s12 =	simm.s32 $0x0;
	(pc) =	sbr.rel .LBB1_1-.Ltmp0, $4  }
0x6: {  	s9 =	simm.s32 $0x0;
	s3 =	sadd.s32 $0x301600, s1;
	s5 =	sshll.u32 s4, $0x4  }
0x7: {  	s1 =	stileid.u32;
	s4 =	simm.s32 $0x1;
	s5 =	sand.u32 $0x10, s5  }
0x8: {  	s8 =	simm.s32 $0x0;
	[sflag:s4] =	ssyncpa.u1 $0x0;
	s5 =	sor.u32 s1, s5  }
0x9: {  	[sflag:s6] =	ssyncpa.u1 $0x0;
	s6 =	simm.s32 $0x800;
	s10 =	smov.u32 s5  }
.LBB1_7:
0xa: {  	s13 =	sadd.s32 $0x10, s9  }
0xb: {  	s11 =	sadd.s32 $0x20, s10;
	s15 =	smov.u32 s10;
	p2 =	sgt.s32 s13, $0x7F  }
0xc: {  	p1 =	slt.u32 s8, $0x2;
	s15 =	smov.u32 @p2 s11  }
0xd: {  	s8 =	sadd.s32 $0x1, s8;
	s13 =	simm.s32 @p2 $0x0;
	p2 =	sgt.s32 s15, $0x5F  }
0xe: {  	s15 =	smov.u32 @p2 s5;
	p2 =	sne.s32 s8, $0x1A  }
.Ltmp1:
0xf: {  	_ = 	snop;
	(pc) =	sbr.rel @!p2 .LBB1_8-.Ltmp1, $4  }
0x10: {  	s14 =	simm.s32 @!p1 $0x2  }
0x11: {  	s12 =	smov.u32 s10;
	_ =	swait.ge @!p1 [sflag:s14], $0x4000  }
0x12: {  	p0 =	por !p0, !p0;
	s11 =	smov.u32 s9;
	[sflag:s14] =	ssyncset.done @!p1 $0x0  }
0x13: {  	s9 =	smov.u32 s13;
	[sflag:s14] =	ssyncadd.s32 @!p1 $0xFFFFC000;
	s10 =	smov.u32 s15  }
.LBB1_1:
0x14: {  	p1 =	sgt.u32 s8, $0x17  }
0x15: {  	s13 =	sxor.u32 @!p1 $0xFFFFFFFF, s8;
	s14 =	sshll.u32 @!p1 s10, $0xE  }
0x16: {  	s15 =	sshll.u32 @!p1 s9, $0x7;
	s13 =	sshll.u32 @!p1 s13, $0xE;
	s14 =	sadd.s32 @!p1 s3, s14  }
0x17: {  	s13 =	sand.u32 @!p1 $0x4000, s13;
	s14 =	sadd.s32 @!p1 s15, s14;
	s15 =	simm.s32 @!p1 $0x0  }
0x18: {  	[tilespmem:s13], [sflag:$0x1] =	stream.linear.gather @!p1 [hbm4b:s14+s15], $0x4000, $0x38;
	[tilespmem:$0x10000] =	vst v63  }
0x19: {  	p1 =	seq.s32 s8, $0x0  }
0x1a: {  	p2 =	seq.s32 @!p1 s8, $0x19  }
0x1b: {  	p1 =	por p1, p2  }
.Ltmp2:
0x1c: {  	_ = 	snop;
	(pc) =	sbr.rel @p1 .LBB1_7-.Ltmp2, $1  }
0x1d: {  	_ =	sdelay $0x3  }
0x1e: {  	s13 =	simm.s32 $0x1;
	_ =	swait.ge [sflag:s4], $0x4000;
	s16 =	sshll.u32 s8, $0xE  }
0x1f: {  	s13 =	simm.s32 @!p0 $0x0;
	[sflag:s4] =	ssyncset.done $0x0;
	s31 =	sand.u32 $0x4000, s16  }
0x20: {  	s16 =	simm.s32 $0x0;
	s14 =	sshll.u32 s13, $0xE;
	[sflag:s4] =	ssyncadd.s32 $0xFFFFC000  }
0x21: {  	s13 =	sor.u32 $0x8040, s14;
	s15 =	sor.u32 $0x40, s14;
	s14 =	sor.u32 $0x8000, s31  }
.LBB1_3:
0x22: {  	v0 =	vmov s15;
	_ =	sdelay $0x3  }
0x23: {  	s18 =	simm.s32 $0x0  }
0x24: {  	v6 =	vld.idx.msk [tilespmem:v0+s18+$0x30 ss:$0x1], $0xffff  }
0x25: {  	v7 =	vld.idx.msk [tilespmem:v0+s18+$0xFFFFFFC0 ss:$0x1], $0xffff  }
0x26: {  	v5 =	vld.idx.msk [tilespmem:v0+s18+$0xFFFFFFD0 ss:$0x1], $0xffff  }
0x27: {  	v4 =	vld.idx.msk [tilespmem:v0+s18+$0xFFFFFFE0 ss:$0x1], $0xffff  }
0x28: {  	v3 =	vld.idx.msk [tilespmem:v0+s18+$0xFFFFFFF0 ss:$0x1], $0xffff  }
0x29: {  	v1 =	vld.idx.msk [tilespmem:v0+s18+$0x0 ss:$0x1], $0xffff  }
0x2a: {  	v2 =	vld.idx.msk [tilespmem:v0+s18+$0x10 ss:$0x1], $0xffff;
	[tilespmem:s13+$0x30] =	vst v6  }
0x2b: {  	s17 =	simm.s32 $0x80;
	s19 =	simm.s32 $0x400;
	[tilespmem:s13+$0xFFFFFFC0] =	vst v7;
	v6 =	vld.idx.msk [tilespmem:v0+s18+$0x20 ss:$0x1], $0xffff;
	s18 =	smov.u32 s13  }
.LBB1_4:
0x2c: {  	p1 =	sne.s32 s19, $0xE00;
	v7 =	vld.idx.msk [tilespmem:v0+s17+$0x30 ss:$0x1], $0xffff;
	[tilespmem:s18+$0xFFFFFFD0] =	vst v5  }
0x2d: {  	v8 =	vld.idx.msk [tilespmem:v0+s17+$0xFFFFFFC0 ss:$0x1], $0xffff;
	[tilespmem:s18+$0xFFFFFFE0] =	vst v4  }
0x2e: {  	v5 =	vld.idx.msk [tilespmem:v0+s17+$0xFFFFFFD0 ss:$0x1], $0xffff;
	[tilespmem:s18+$0xFFFFFFF0] =	vst v3  }
.Ltmp3:
0x2f: {  	v4 =	vld.idx.msk [tilespmem:v0+s17+$0xFFFFFFE0 ss:$0x1], $0xffff;
	[tilespmem:s18+$0x0] =	vst v1;
	(pc) =	sbr.rel @p1 .LBB1_4-.Ltmp3, $4  }
0x30: {  	v3 =	vld.idx.msk [tilespmem:v0+s17+$0xFFFFFFF0 ss:$0x1], $0xffff;
	[tilespmem:s18+$0x10] =	vst v2  }
0x31: {  	v1 =	vld.idx.msk [tilespmem:v0+s17+$0x0 ss:$0x1], $0xffff;
	[tilespmem:s18+$0x20] =	vst v6;
	s18 =	sadd.s32 $0x800, s18  }
0x32: {  	v2 =	vld.idx.msk [tilespmem:v0+s17+$0x10 ss:$0x1], $0xffff;
	[tilespmem:s18+$0x30] =	vst v7  }
0x33: {  	[tilespmem:s18+$0xFFFFFFC0] =	vst v8;
	v6 =	vld.idx.msk [tilespmem:v0+s17+$0x20 ss:$0x1], $0xffff;
	s17 =	sshra.s32 s19, $0x2;
	s19 =	sadd.s32 $0x200, s19  }
0x34: {  	_ =	sdelay $0x2  }
0x35: {  	[tilespmem:s18+$0xFFFFFFD0] =	vst v5  }
0x36: {  	v56 =	vld.idx.msk [tilespmem:v0+s17+$0x30 ss:$0x1], $0xffff;
	[tilespmem:s18+$0xFFFFFFE0] =	vst v4  }
0x37: {  	v57 =	vld.idx.msk [tilespmem:v0+s17+$0xFFFFFFC0 ss:$0x1], $0xffff;
	[tilespmem:s18+$0xFFFFFFF0] =	vst v3  }
0x38: {  	v58 =	vld.idx.msk [tilespmem:v0+s17+$0xFFFFFFD0 ss:$0x1], $0xffff;
	[tilespmem:s18+$0x0] =	vst v1  }
0x39: {  	v59 =	vld.idx.msk [tilespmem:v0+s17+$0xFFFFFFE0 ss:$0x1], $0xffff;
	[tilespmem:s18+$0x10] =	vst v2  }
0x3a: {  	v60 =	vld.idx.msk [tilespmem:v0+s17+$0xFFFFFFF0 ss:$0x1], $0xffff;
	s31 =	sadd.s32 $0x800, s18;
	[tilespmem:s18+$0x20] =	vst v6  }
0x3b: {  	v61 =	vld.idx.msk [tilespmem:v0+s17+$0x0 ss:$0x1], $0xffff;
	[tilespmem:s31+$0x30] =	vst v56  }
0x3c: {  	v62 =	vld.idx.msk [tilespmem:v0+s17+$0x10 ss:$0x1], $0xffff;
	s16 =	sadd.s32 $0x1, s16;
	[tilespmem:s31+$0xFFFFFFC0] =	vst v57  }
0x3d: {  	v63 =	vld.idx.msk [tilespmem:v0+s17+$0x20 ss:$0x1], $0xffff;
	p1 =	sne.s32 s16, $0x10;
	[tilespmem:s31+$0xFFFFFFD0] =	vst v58  }
.Ltmp4:
0x3e: {  	[tilespmem:s31+$0xFFFFFFE0] =	vst v59;
	(pc) =	sbr.rel @p1 .LBB1_3-.Ltmp4, $4  }
0x3f: {  	[tilespmem:s31+$0xFFFFFFF0] =	vst v60  }
0x40: {  	[tilespmem:s31+$0x0] =	vst v61  }
0x41: {  	[tilespmem:s31+$0x10] =	vst v62  }
0x42: {  	s13 =	sadd.s32 $0x80, s13;
	s15 =	sadd.s32 $0x400, s15;
	[tilespmem:s31+$0x20] =	vst v63  }
.Ltmp5:
0x43: {  	(pc) =	sbr.rel .LBB1_7-.Ltmp5, $4  }
0x44: {  	s12 =	sshll.u32 s12, $0xE;
	s11 =	sshll.u32 s11, $0x4  }
0x45: {  	s11 =	sand.u32 $0x7F0, s11;
	s12 =	sadd.s32 s2, s12  }
0x46: {  	s11 =	sadd.s32 s11, s12  }
0x47: {  	[hbm4b:s11+s6] =	stream.strided.scatter [tilespmem:s14], [sflag:$0x2], $0x4000, s7, s6, $0x38;
	[tilespmem:$0x10000] =	vst v63  }
.LBB1_8:
0x48: {  	_ =	sfence.sel $0x180000  }
0x49: {  	s2 =	simm.s32 $0x1;
	[bflag:$0x0] =	sbarrier.arrive $0xFFFF  }
0x4a: {  	s31 =	simm.s32 $0x2;
	[sflag:s2] =	ssyncpa.u1 $0x1  }
0x4b: {  	[sflag:s31] =	ssyncpa.u1 $0x1  }
0x4c: {  	p0 =	sne.s32 s1, $0x0;
	_ =	strace $0x9000004D  }
0x4d: {  	s0 =	sadd.s32 @!p0 $0x100000, s0;
	[bflag:$0x2] =	sbarrier.arrive $0xFFFF  }
0x4e: {  	[sflag:s0] =	ssyncadd.tile.s32 @!p0 $0x1;
	_ =	shalt  }
.Lfunc_end1:
_tile_overlayer_lowered:
.L_overlay_start_2:
0x4f: {  	(tag) =	ssettag $0x2  }
0x50: {  	s0 =	rddreg [dreg:$0x0];
	s2 =	stileid.u32  }
0x51: {  	s1 =	rddreg [dreg:$0x1];
	p0 =	sne.s32 s2, $0x0  }
0x52: {  	s3 =	rddreg [dreg:$0x2];
	[bflag:$0x3] =	sbarrier.arrive $0xFFFF;
	s2 =	simm.s32 @!p0 $0x1C01  }
0x53: {  	[timem:s3], [sflag:s2] =	dma.local @!p0 [hbm:s0], s1  }
0x54: {  	s0 =	simm.s32 @!p0 $0x1  }
0x55: {  	_ =	swait.ge @!p0 [sflag:s0], s1  }
0x56: {  	s1 =	ssub.s32 @!p0 $0x0, s1;
	[sflag:s0] =	ssyncset.done @!p0 $0x0  }
0x57: {  	[sflag:s0] =	ssyncadd.s32 @!p0 s1  }
0x58: {  	[bflag:$0x3] =	sbarrier.arrive $0xFFFF  }
0x59: {  	_ =	shalt  }

</sc_bundles>
